<compile_context>
chip_gen: v7x
topology: tpu7x:2x2x1
jax: 0.10.2.dev20260603
libtpu: 0.0.44.dev20260713+nightly
codegen_flags: <defaults>
</compile_context>

<pallas_src>
import functools

import jax
import jax.numpy as jnp
from jax import lax
from jax.experimental import pallas as pl
from jax.experimental.pallas import tpu as pltpu
from jax.experimental.pallas import tpu_sc as plsc

N_SRC = 10000
N_DST = 2048
E = 320000
D = 128

NC = 2
NS = 16
NW = NC * NS
EDGES_PER_TILE = E // NW
CHUNK = 128
NCHUNK = -(-EDGES_PER_TILE // CHUNK)
NCHUNK_PAD = NCHUNK + 1
SRC_ROWS = NCHUNK_PAD + 8
N_ACC = N_DST + NS
ROWS_PER_TILE = N_DST // NS


def _sc_aggregate(x, src_p, dst_p, z_acc):
    mesh = plsc.VectorSubcoreMesh(core_axis_name="c", subcore_axis_name="s")

    @functools.partial(
        pl.kernel,
        mesh=mesh,
        out_type=jax.ShapeDtypeStruct((NC, N_DST, D), jnp.float32),
        scratch_types=[
            pltpu.VMEM((SRC_ROWS, CHUNK), jnp.int32),
            pltpu.VMEM((NCHUNK_PAD, CHUNK), jnp.int32),
            pltpu.VMEM((CHUNK, D), jnp.float32),
            pltpu.VMEM((CHUNK, D), jnp.float32),
            pltpu.VMEM_SHARED((N_ACC, D), jnp.float32),
            pltpu.SemaphoreType.DMA,
            pltpu.SemaphoreType.DMA,
            pltpu.SemaphoreType.DMA,
            pltpu.SemaphoreType.DMA,
        ],
    )
    def k(x_hbm, src_hbm, dst_hbm, zacc_hbm, acc_out,
          src_v, dst_v, rows_a, rows_b, acc_sh,
          sem_ga, sem_gb, sem_sa, sem_sb):
        cid = lax.axis_index("c")
        sid = lax.axis_index("s")
        wid = cid * NS + sid
        row0 = sid * ROWS_PER_TILE

        pltpu.sync_copy(src_hbm.at[wid], src_v)
        pltpu.sync_copy(dst_hbm.at[wid], dst_v)

        pltpu.sync_copy(zacc_hbm.at[pl.ds(row0, ROWS_PER_TILE)],
                        acc_sh.at[pl.ds(row0, ROWS_PER_TILE)])

        plsc.subcore_barrier()

        pltpu.async_copy(x_hbm.at[src_v.at[0]], rows_a, sem_ga)

        def body(i, carry):
            c0 = 2 * i
            c1 = 2 * i + 1
            pltpu.make_async_copy(x_hbm.at[src_v.at[c0]], rows_a,
                                  sem_ga).wait()
            pltpu.async_copy(x_hbm.at[src_v.at[c1]], rows_b, sem_gb)
            pltpu.make_async_copy(x_hbm.at[src_v.at[c1]], rows_b,
                                  sem_gb).wait()
            pltpu.async_copy(x_hbm.at[src_v.at[c1 + 1]], rows_a, sem_ga)
            return carry

        lax.fori_loop(0, (NCHUNK - 1) // 2, body, 0)

        pltpu.make_async_copy(x_hbm.at[src_v.at[NCHUNK - 1]], rows_a,
                              sem_ga).wait()
        pltpu.sync_copy(rows_a, acc_sh.at[dst_v.at[NCHUNK - 1]], add=True)

        plsc.subcore_barrier()

        pltpu.sync_copy(acc_sh.at[pl.ds(row0, ROWS_PER_TILE)],
                        acc_out.at[cid, pl.ds(row0, ROWS_PER_TILE)])

    return k(x, src_p, dst_p, z_acc)


HB = 16000
HI = 32
LO = 64


def _hist_body(dst_ref, o_ref):
    d = dst_ref[0]
    hi = jnp.broadcast_to(d >> 6, (HI, HB))
    lo = jnp.broadcast_to(d & 63, (LO, HB))
    ahi = (lax.broadcasted_iota(jnp.int32, (HI, HB), 0) == hi
           ).astype(jnp.float32)
    alo = (lax.broadcasted_iota(jnp.int32, (LO, HB), 0) == lo
           ).astype(jnp.float32)
    h = lax.dot_general(ahi, alo, (((1,), (1,)), ((), ())),
                        preferred_element_type=jnp.float32)

    @pl.when(pl.program_id(0) == 0)
    def _():
        o_ref[...] = h

    @pl.when(pl.program_id(0) != 0)
    def _():
        o_ref[...] += h


def _tc_body(acc_ref, cnt_ref, xt_ref, wlt_ref, wrt_ref, b_ref, o_ref):
    acc = acc_ref[0] + acc_ref[1]
    cnt = cnt_ref[...]
    agg = acc / jnp.maximum(cnt, 1.0)
    out = (jnp.dot(agg, wlt_ref[...], preferred_element_type=jnp.float32)
           + b_ref[...]
           + jnp.dot(xt_ref[...], wrt_ref[...],
                     preferred_element_type=jnp.float32))
    norm = jnp.sqrt(jnp.sum(out * out, axis=1, keepdims=True))
    o_ref[...] = out / jnp.maximum(norm, 1e-12)


def kernel(x, edge_index, W_l, W_r, b):
    src = edge_index[0].astype(jnp.int32)
    dst = edge_index[1].astype(jnp.int32)
    src_p = jnp.pad(src.reshape(NW, EDGES_PER_TILE),
                    ((0, 0), (0, SRC_ROWS * CHUNK - EDGES_PER_TILE))
                    ).reshape(NW, SRC_ROWS, CHUNK)
    npad = NCHUNK_PAD * CHUNK - EDGES_PER_TILE
    junk = jnp.broadcast_to(
        (N_DST + jnp.arange(NW, dtype=jnp.int32) % NS)[:, None], (NW, npad))
    dst_p = jnp.concatenate(
        [dst.reshape(NW, EDGES_PER_TILE), junk],
        axis=1).reshape(NW, NCHUNK_PAD, CHUNK)
    z_acc = jnp.zeros((N_DST, D), dtype=jnp.float32)

    acc_p = _sc_aggregate(x, src_p, dst_p, z_acc)

    cnt2d = pl.pallas_call(
        _hist_body,
        grid=(E // HB,),
        in_specs=[pl.BlockSpec((1, 1, HB), lambda i: (i, 0, 0))],
        out_specs=pl.BlockSpec((HI, LO), lambda i: (0, 0)),
        out_shape=jax.ShapeDtypeStruct((HI, LO), jnp.float32),
    )(dst.reshape(E // HB, 1, HB))
    cnt = cnt2d.reshape(N_DST, 1)

    out = pl.pallas_call(
        _tc_body,
        out_shape=jax.ShapeDtypeStruct((N_DST, D), jnp.float32),
    )(acc_p, cnt, x[:N_DST], W_l.T, W_r.T, b.reshape(1, D))
    return out

# --- scband reference (transcript-rebuilt; emitter-appended) ---
"""Pipeline reference for scband-graph-sage1layer-66915590472497 (READ-ONLY COPY).

The authoritative reference and input builder live on the scoring server;
editing this copy changes nothing except your own understanding.
"""

import jax, jax.numpy as jnp
import numpy as np

N_SRC = 10000
N_DST = 2048
E = 320000
D_IN = 128
D_OUT = 128


def setup_inputs(seed: int = 0) -> dict:
    key = jax.random.key(seed)
    ks = jax.random.split(key, 6)
    x = jax.random.normal(ks[0], (N_SRC, D_IN), dtype=jnp.float32)
    src = jax.random.randint(ks[1], (E,), 0, N_SRC)
    dst = jax.random.randint(ks[2], (E,), 0, N_DST)
    edge_index = jnp.stack([src, dst])
    lim = 1.0 / np.sqrt(D_IN)
    W_l = jax.random.uniform(ks[3], (D_OUT, D_IN), minval=-lim, maxval=lim, dtype=jnp.float32)
    W_r = jax.random.uniform(ks[4], (D_OUT, D_IN), minval=-lim, maxval=lim, dtype=jnp.float32)
    b = jax.random.uniform(ks[5], (D_OUT,), minval=-lim, maxval=lim, dtype=jnp.float32)
    return {"x": x, "edge_index": edge_index, "W_l": W_l, "W_r": W_r, "b": b}


def reference(x, edge_index, W_l, W_r, b):
    # SAGEConv (mean aggr, normalize=False) on bipartite (x, x_target), then
    # Identity activation and F.normalize(p=2, dim=-1).
    src = edge_index[0]
    dst = edge_index[1]
    x_target = x[:N_DST]
    # message: gather source node features per edge
    msg = jnp.take(x, src, axis=0)
    # mean aggregation at destination nodes (scatter-add + count)
    agg_sum = jax.ops.segment_sum(msg, dst, num_segments=N_DST)
    cnt = jax.ops.segment_sum(jnp.ones((E,), dtype=x.dtype), dst, num_segments=N_DST)
    agg = agg_sum / jnp.clip(cnt, 1.0)[:, None]
    # out = lin_l(agg) + lin_r(x_target); bias lives in lin_l
    out = agg @ W_l.T + b + x_target @ W_r.T
    # act = Identity; then L2 normalize along last dim (eps=1e-12)
    norm = jnp.linalg.norm(out, axis=-1, keepdims=True)
    out = out / jnp.maximum(norm, 1e-12)
    return out

if __name__ == "__main__":
    import jax
    _d = setup_inputs()
    print(jax.jit(kernel)(*tuple(_d.values())))

</pallas_src>

<mosaic_0001>
#map = affine_map<(d0, d1) -> (0, 0)>
#map1 = affine_map<(d0, d1) -> (0, 0, 0)>
module attributes {stable_mosaic.version = 14 : i64} {
  func.func @k(%arg0: i32, %arg1: i32, %arg2: memref<10000x128xf32, #tpu.memory_space<hbm>>, %arg3: memref<32x88x128xi32, #tpu.memory_space<hbm>>, %arg4: memref<32x80x128xi32, #tpu.memory_space<hbm>>, %arg5: memref<2048x128xf32, #tpu.memory_space<hbm>>, %arg6: memref<2x2048x128xf32, #tpu.memory_space<hbm>>, %arg7: memref<88x128xi32, #tpu.memory_space<vmem>>, %arg8: memref<80x128xi32, #tpu.memory_space<vmem>>, %arg9: memref<128x128xf32, #tpu.memory_space<vmem>>, %arg10: memref<128x128xf32, #tpu.memory_space<vmem>>, %arg11: memref<2064x128xf32, #tpu.memory_space<vmem_shared>>, %arg12: memref<!tpu.dma_semaphore, #tpu.memory_space<semaphore_mem>>, %arg13: memref<!tpu.dma_semaphore, #tpu.memory_space<semaphore_mem>>, %arg14: memref<!tpu.dma_semaphore, #tpu.memory_space<semaphore_mem>>, %arg15: memref<!tpu.dma_semaphore, #tpu.memory_space<semaphore_mem>>) attributes {dimension_semantics = [#tpu.dimension_semantics<core_parallel>, #tpu.dimension_semantics<subcore_parallel>], iteration_bounds = array<i64: 2, 16>, scalar_prefetch = 0 : i64, scratch_operands = 9 : i64, tpu.core_type = #tpu.core_type<sc_vector_subcore>, window_params = [{transform_indices = #map}, {transform_indices = #map1}, {transform_indices = #map1}, {transform_indices = #map}, {transform_indices = #map1}]} {
    %mul3A = arith.constant 16 : i32
    %mul3A_0 = arith.muli %arg0, %mul3A : i32
    %add3A = arith.addi %mul3A_0, %arg1 : i32
    %mul3A_1 = arith.constant 128 : i32
    %mul3A_2 = arith.muli %arg1, %mul3A_1 : i32
    "tpu.region"() ({
      %run_scoped3A_21 = tpu.sem_alloc : memref<!tpu.dma_semaphore, #tpu.memory_space<semaphore_mem>>
      %dma_start3A_22 = arith.constant 0 : i32
      %dma_start3A_23 = arith.constant 0 : i32
      %dma_start3A_24 = tpu.memref_slice %arg3[%add3A, %dma_start3A_22, %dma_start3A_23] : memref<32x88x128xi32, #tpu.memory_space<hbm>> -> memref<1x88x128xi32, #tpu.memory_space<hbm>>
      %dma_start3A_25 = tpu.memref_squeeze %dma_start3A_24 : memref<1x88x128xi32, #tpu.memory_space<hbm>> -> memref<88x128xi32, #tpu.memory_space<hbm>>
      %dma_start3A_26 = arith.constant 0 : i32
      %dma_start3A_27 = arith.constant 0 : i32
      %dma_start3A_28 = tpu.memref_slice %arg3[%add3A, %dma_start3A_26, %dma_start3A_27] : memref<32x88x128xi32, #tpu.memory_space<hbm>> -> memref<1x88x128xi32, #tpu.memory_space<hbm>>
      %dma_start3A_29 = tpu.memref_squeeze %dma_start3A_28 : memref<1x88x128xi32, #tpu.memory_space<hbm>> -> memref<88x128xi32, #tpu.memory_space<hbm>>
      tpu.enqueue_dma source(%dma_start3A_29 : memref<88x128xi32, #tpu.memory_space<hbm>>) target(%arg7 : memref<88x128xi32, #tpu.memory_space<vmem>>) target_semaphore(%run_scoped3A_21 : memref<!tpu.dma_semaphore, #tpu.memory_space<semaphore_mem>>)
      %dma_wait3A_30 = arith.constant 0 : i32
      %dma_wait3A_31 = arith.constant 0 : i32
      %dma_wait3A_32 = tpu.memref_slice %arg3[%add3A, %dma_wait3A_30, %dma_wait3A_31] : memref<32x88x128xi32, #tpu.memory_space<hbm>> -> memref<1x88x128xi32, #tpu.memory_space<hbm>>
      %dma_wait3A_33 = tpu.memref_squeeze %dma_wait3A_32 : memref<1x88x128xi32, #tpu.memory_space<hbm>> -> memref<88x128xi32, #tpu.memory_space<hbm>>
      %dma_wait3A_34 = arith.constant 0 : i32
      %dma_wait3A_35 = arith.constant 0 : i32
      %dma_wait3A_36 = tpu.memref_slice %arg3[%add3A, %dma_wait3A_34, %dma_wait3A_35] : memref<32x88x128xi32, #tpu.memory_space<hbm>> -> memref<1x88x128xi32, #tpu.memory_space<hbm>>
      %dma_wait3A_37 = tpu.memref_squeeze %dma_wait3A_36 : memref<1x88x128xi32, #tpu.memory_space<hbm>> -> memref<88x128xi32, #tpu.memory_space<hbm>>
      tpu.wait_dma2 semaphore(%run_scoped3A_21 : memref<!tpu.dma_semaphore, #tpu.memory_space<semaphore_mem>>) src(%dma_wait3A_37 : memref<88x128xi32, #tpu.memory_space<hbm>>) dst(%arg7 : memref<88x128xi32, #tpu.memory_space<vmem>>)
      tpu.yield
    }) : () -> ()
    "tpu.region"() ({
      %run_scoped3A_21 = tpu.sem_alloc : memref<!tpu.dma_semaphore, #tpu.memory_space<semaphore_mem>>
      %dma_start3A_22 = arith.constant 0 : i32
      %dma_start3A_23 = arith.constant 0 : i32
      %dma_start3A_24 = tpu.memref_slice %arg4[%add3A, %dma_start3A_22, %dma_start3A_23] : memref<32x80x128xi32, #tpu.memory_space<hbm>> -> memref<1x80x128xi32, #tpu.memory_space<hbm>>
      %dma_start3A_25 = tpu.memref_squeeze %dma_start3A_24 : memref<1x80x128xi32, #tpu.memory_space<hbm>> -> memref<80x128xi32, #tpu.memory_space<hbm>>
      %dma_start3A_26 = arith.constant 0 : i32
      %dma_start3A_27 = arith.constant 0 : i32
      %dma_start3A_28 = tpu.memref_slice %arg4[%add3A, %dma_start3A_26, %dma_start3A_27] : memref<32x80x128xi32, #tpu.memory_space<hbm>> -> memref<1x80x128xi32, #tpu.memory_space<hbm>>
      %dma_start3A_29 = tpu.memref_squeeze %dma_start3A_28 : memref<1x80x128xi32, #tpu.memory_space<hbm>> -> memref<80x128xi32, #tpu.memory_space<hbm>>
      tpu.enqueue_dma source(%dma_start3A_29 : memref<80x128xi32, #tpu.memory_space<hbm>>) target(%arg8 : memref<80x128xi32, #tpu.memory_space<vmem>>) target_semaphore(%run_scoped3A_21 : memref<!tpu.dma_semaphore, #tpu.memory_space<semaphore_mem>>)
      %dma_wait3A_30 = arith.constant 0 : i32
      %dma_wait3A_31 = arith.constant 0 : i32
      %dma_wait3A_32 = tpu.memref_slice %arg4[%add3A, %dma_wait3A_30, %dma_wait3A_31] : memref<32x80x128xi32, #tpu.memory_space<hbm>> -> memref<1x80x128xi32, #tpu.memory_space<hbm>>
      %dma_wait3A_33 = tpu.memref_squeeze %dma_wait3A_32 : memref<1x80x128xi32, #tpu.memory_space<hbm>> -> memref<80x128xi32, #tpu.memory_space<hbm>>
      %dma_wait3A_34 = arith.constant 0 : i32
      %dma_wait3A_35 = arith.constant 0 : i32
      %dma_wait3A_36 = tpu.memref_slice %arg4[%add3A, %dma_wait3A_34, %dma_wait3A_35] : memref<32x80x128xi32, #tpu.memory_space<hbm>> -> memref<1x80x128xi32, #tpu.memory_space<hbm>>
      %dma_wait3A_37 = tpu.memref_squeeze %dma_wait3A_36 : memref<1x80x128xi32, #tpu.memory_space<hbm>> -> memref<80x128xi32, #tpu.memory_space<hbm>>
      tpu.wait_dma2 semaphore(%run_scoped3A_21 : memref<!tpu.dma_semaphore, #tpu.memory_space<semaphore_mem>>) src(%dma_wait3A_37 : memref<80x128xi32, #tpu.memory_space<hbm>>) dst(%arg8 : memref<80x128xi32, #tpu.memory_space<vmem>>)
      tpu.yield
    }) : () -> ()
    "tpu.region"() ({
      %run_scoped3A_21 = tpu.sem_alloc : memref<!tpu.dma_semaphore, #tpu.memory_space<semaphore_mem>>
      %dma_start3A_22 = arith.constant 0 : i32
      %dma_start3A_23 = tpu.memref_slice %arg11[%mul3A_2, %dma_start3A_22] : memref<2064x128xf32, #tpu.memory_space<vmem_shared>> -> memref<128x128xf32, #tpu.memory_space<vmem_shared>>
      %dma_start3A_24 = arith.constant 0 : i32
      %dma_start3A_25 = tpu.memref_slice %arg5[%mul3A_2, %dma_start3A_24] : memref<2048x128xf32, #tpu.memory_space<hbm>> -> memref<128x128xf32, #tpu.memory_space<hbm>>
      tpu.enqueue_dma source(%dma_start3A_25 : memref<128x128xf32, #tpu.memory_space<hbm>>) target(%dma_start3A_23 : memref<128x128xf32, #tpu.memory_space<vmem_shared>>) target_semaphore(%run_scoped3A_21 : memref<!tpu.dma_semaphore, #tpu.memory_space<semaphore_mem>>)
      %dma_wait3A_26 = arith.constant 0 : i32
      %dma_wait3A_27 = tpu.memref_slice %arg11[%mul3A_2, %dma_wait3A_26] : memref<2064x128xf32, #tpu.memory_space<vmem_shared>> -> memref<128x128xf32, #tpu.memory_space<vmem_shared>>
      %dma_wait3A_28 = arith.constant 0 : i32
      %dma_wait3A_29 = tpu.memref_slice %arg5[%mul3A_2, %dma_wait3A_28] : memref<2048x128xf32, #tpu.memory_space<hbm>> -> memref<128x128xf32, #tpu.memory_space<hbm>>
      tpu.wait_dma2 semaphore(%run_scoped3A_21 : memref<!tpu.dma_semaphore, #tpu.memory_space<semaphore_mem>>) src(%dma_wait3A_29 : memref<128x128xf32, #tpu.memory_space<hbm>>) dst(%dma_wait3A_27 : memref<128x128xf32, #tpu.memory_space<vmem_shared>>)
      tpu.yield
    }) : () -> ()
    %barrier3A = arith.constant 0 : index
    tpu.barrier barrier_id(%barrier3A)
    %dma_start3A = arith.constant 0 : i32
    %dma_start3A_3 = arith.constant 0 : i32
    %dma_start3A_4 = tpu.memref_slice %arg7[%dma_start3A, %dma_start3A_3] : memref<88x128xi32, #tpu.memory_space<vmem>> -> memref<1x128xi32, #tpu.memory_space<vmem>>
    %dma_start3A_5 = tpu.memref_squeeze %dma_start3A_4 : memref<1x128xi32, #tpu.memory_space<vmem>> -> memref<128xi32, #tpu.memory_space<vmem>>
    %dma_start3A_6 = arith.constant 0 : i32
    %dma_start3A_7 = arith.constant 0 : i32
    %dma_start3A_8 = tpu.memref_slice %arg2[%dma_start3A_6, %dma_start3A_7] : memref<10000x128xf32, #tpu.memory_space<hbm>> -> memref<10000x128xf32, #tpu.memory_space<hbm>>
    tpu.enqueue_indirect_dma source(%dma_start3A_8 : memref<10000x128xf32, #tpu.memory_space<hbm>>) target(%arg9 : memref<128x128xf32, #tpu.memory_space<vmem>>) offsets(%dma_start3A_5 : memref<128xi32, #tpu.memory_space<vmem>>) semaphore(%arg12 : memref<!tpu.dma_semaphore, #tpu.memory_space<semaphore_mem>>)
    %scan3A = arith.constant 0 : i32
    %scan3A_9 = arith.constant 0 : i32
    %scan3A_10 = arith.constant 39 : i32
    %scan3A_11 = arith.addi %scan3A_9, %scan3A_10 : i32
    %scan3A_12 = arith.constant 1 : i32
    scf.for %scan3A_21 = %scan3A_9 to %scan3A_11 step %scan3A_12  : i32 {
      %mul3A_22 = arith.constant 2 : i32
      %mul3A_23 = arith.muli %mul3A_22, %scan3A_21 : i32
      %mul3A_24 = arith.constant 2 : i32
      %mul3A_25 = arith.muli %mul3A_24, %scan3A_21 : i32
      %add3A_26 = arith.constant 1 : i32
      %add3A_27 = arith.addi %mul3A_25, %add3A_26 : i32
      %dma_wait3A_28 = arith.constant 0 : i32
      %dma_wait3A_29 = tpu.memref_slice %arg7[%mul3A_23, %dma_wait3A_28] : memref<88x128xi32, #tpu.memory_space<vmem>> -> memref<1x128xi32, #tpu.memory_space<vmem>>
      %dma_wait3A_30 = tpu.memref_squeeze %dma_wait3A_29 : memref<1x128xi32, #tpu.memory_space<vmem>> -> memref<128xi32, #tpu.memory_space<vmem>>
      %dma_wait3A_31 = arith.constant 0 : i32
      %dma_wait3A_32 = arith.constant 0 : i32
      %dma_wait3A_33 = tpu.memref_slice %arg2[%dma_wait3A_31, %dma_wait3A_32] : memref<10000x128xf32, #tpu.memory_space<hbm>> -> memref<10000x128xf32, #tpu.memory_space<hbm>>
      tpu.wait_indirect_dma semaphore(%arg12 : memref<!tpu.dma_semaphore, #tpu.memory_space<semaphore_mem>>) src(%dma_wait3A_33 : memref<10000x128xf32, #tpu.memory_space<hbm>>) dst(%arg9 : memref<128x128xf32, #tpu.memory_space<vmem>>)
      %dma_start3A_34 = arith.constant 0 : i32
      %dma_start3A_35 = tpu.memref_slice %arg7[%add3A_27, %dma_start3A_34] : memref<88x128xi32, #tpu.memory_space<vmem>> -> memref<1x128xi32, #tpu.memory_space<vmem>>
      %dma_start3A_36 = tpu.memref_squeeze %dma_start3A_35 : memref<1x128xi32, #tpu.memory_space<vmem>> -> memref<128xi32, #tpu.memory_space<vmem>>
      %dma_start3A_37 = arith.constant 0 : i32
      %dma_start3A_38 = arith.constant 0 : i32
      %dma_start3A_39 = tpu.memref_slice %arg2[%dma_start3A_37, %dma_start3A_38] : memref<10000x128xf32, #tpu.memory_space<hbm>> -> memref<10000x128xf32, #tpu.memory_space<hbm>>
      tpu.enqueue_indirect_dma source(%dma_start3A_39 : memref<10000x128xf32, #tpu.memory_space<hbm>>) target(%arg10 : memref<128x128xf32, #tpu.memory_space<vmem>>) offsets(%dma_start3A_36 : memref<128xi32, #tpu.memory_space<vmem>>) semaphore(%arg13 : memref<!tpu.dma_semaphore, #tpu.memory_space<semaphore_mem>>)
      %dma_wait3A_40 = arith.constant 0 : i32
      %dma_wait3A_41 = tpu.memref_slice %arg7[%add3A_27, %dma_wait3A_40] : memref<88x128xi32, #tpu.memory_space<vmem>> -> memref<1x128xi32, #tpu.memory_space<vmem>>
      %dma_wait3A_42 = tpu.memref_squeeze %dma_wait3A_41 : memref<1x128xi32, #tpu.memory_space<vmem>> -> memref<128xi32, #tpu.memory_space<vmem>>
      %dma_wait3A_43 = arith.constant 0 : i32
      %dma_wait3A_44 = arith.constant 0 : i32
      %dma_wait3A_45 = tpu.memref_slice %arg2[%dma_wait3A_43, %dma_wait3A_44] : memref<10000x128xf32, #tpu.memory_space<hbm>> -> memref<10000x128xf32, #tpu.memory_space<hbm>>
      tpu.wait_indirect_dma semaphore(%arg13 : memref<!tpu.dma_semaphore, #tpu.memory_space<semaphore_mem>>) src(%dma_wait3A_45 : memref<10000x128xf32, #tpu.memory_space<hbm>>) dst(%arg10 : memref<128x128xf32, #tpu.memory_space<vmem>>)
      %add3A_46 = arith.constant 1 : i32
      %add3A_47 = arith.addi %add3A_27, %add3A_46 : i32
      %dma_start3A_48 = arith.constant 0 : i32
      %dma_start3A_49 = tpu.memref_slice %arg7[%add3A_47, %dma_start3A_48] : memref<88x128xi32, #tpu.memory_space<vmem>> -> memref<1x128xi32, #tpu.memory_space<vmem>>
      %dma_start3A_50 = tpu.memref_squeeze %dma_start3A_49 : memref<1x128xi32, #tpu.memory_space<vmem>> -> memref<128xi32, #tpu.memory_space<vmem>>
      %dma_start3A_51 = arith.constant 0 : i32
      %dma_start3A_52 = arith.constant 0 : i32
      %dma_start3A_53 = tpu.memref_slice %arg2[%dma_start3A_51, %dma_start3A_52] : memref<10000x128xf32, #tpu.memory_space<hbm>> -> memref<10000x128xf32, #tpu.memory_space<hbm>>
      tpu.enqueue_indirect_dma source(%dma_start3A_53 : memref<10000x128xf32, #tpu.memory_space<hbm>>) target(%arg9 : memref<128x128xf32, #tpu.memory_space<vmem>>) offsets(%dma_start3A_50 : memref<128xi32, #tpu.memory_space<vmem>>) semaphore(%arg12 : memref<!tpu.dma_semaphore, #tpu.memory_space<semaphore_mem>>)
    }
    %scan3A_13 = arith.constant 39 : i32
    %dma_wait3A = arith.constant 78 : i32
    %dma_wait3A_14 = arith.constant 0 : i32
    %dma_wait3A_15 = tpu.memref_slice %arg7[%dma_wait3A, %dma_wait3A_14] : memref<88x128xi32, #tpu.memory_space<vmem>> -> memref<1x128xi32, #tpu.memory_space<vmem>>
    %dma_wait3A_16 = tpu.memref_squeeze %dma_wait3A_15 : memref<1x128xi32, #tpu.memory_space<vmem>> -> memref<128xi32, #tpu.memory_space<vmem>>
    %dma_wait3A_17 = arith.constant 0 : i32
    %dma_wait3A_18 = arith.constant 0 : i32
    %dma_wait3A_19 = tpu.memref_slice %arg2[%dma_wait3A_17, %dma_wait3A_18] : memref<10000x128xf32, #tpu.memory_space<hbm>> -> memref<10000x128xf32, #tpu.memory_space<hbm>>
    tpu.wait_indirect_dma semaphore(%arg12 : memref<!tpu.dma_semaphore, #tpu.memory_space<semaphore_mem>>) src(%dma_wait3A_19 : memref<10000x128xf32, #tpu.memory_space<hbm>>) dst(%arg9 : memref<128x128xf32, #tpu.memory_space<vmem>>)
    %run_scoped3A = arith.constant 78 : i32
    "tpu.region"() ({
      %run_scoped3A_21 = tpu.sem_alloc : memref<!tpu.dma_semaphore, #tpu.memory_space<semaphore_mem>>
      %dma_start3A_22 = arith.constant 0 : i32
      %dma_start3A_23 = tpu.memref_slice %arg8[%run_scoped3A, %dma_start3A_22] : memref<80x128xi32, #tpu.memory_space<vmem>> -> memref<1x128xi32, #tpu.memory_space<vmem>>
      %dma_start3A_24 = tpu.memref_squeeze %dma_start3A_23 : memref<1x128xi32, #tpu.memory_space<vmem>> -> memref<128xi32, #tpu.memory_space<vmem>>
      %dma_start3A_25 = arith.constant 0 : i32
      %dma_start3A_26 = arith.constant 0 : i32
      %dma_start3A_27 = tpu.memref_slice %arg11[%dma_start3A_25, %dma_start3A_26] : memref<2064x128xf32, #tpu.memory_space<vmem_shared>> -> memref<2064x128xf32, #tpu.memory_space<vmem_shared>>
      tpu.enqueue_indirect_dma source(%arg9 : memref<128x128xf32, #tpu.memory_space<vmem>>) target(%dma_start3A_27 : memref<2064x128xf32, #tpu.memory_space<vmem_shared>>) offsets(%dma_start3A_24 : memref<128xi32, #tpu.memory_space<vmem>>) semaphore(%run_scoped3A_21 : memref<!tpu.dma_semaphore, #tpu.memory_space<semaphore_mem>>) {add = true}
      %dma_wait3A_28 = arith.constant 0 : i32
      %dma_wait3A_29 = tpu.memref_slice %arg8[%run_scoped3A, %dma_wait3A_28] : memref<80x128xi32, #tpu.memory_space<vmem>> -> memref<1x128xi32, #tpu.memory_space<vmem>>
      %dma_wait3A_30 = tpu.memref_squeeze %dma_wait3A_29 : memref<1x128xi32, #tpu.memory_space<vmem>> -> memref<128xi32, #tpu.memory_space<vmem>>
      %dma_wait3A_31 = arith.constant 0 : i32
      %dma_wait3A_32 = arith.constant 0 : i32
      %dma_wait3A_33 = tpu.memref_slice %arg11[%dma_wait3A_31, %dma_wait3A_32] : memref<2064x128xf32, #tpu.memory_space<vmem_shared>> -> memref<2064x128xf32, #tpu.memory_space<vmem_shared>>
      tpu.wait_indirect_dma semaphore(%run_scoped3A_21 : memref<!tpu.dma_semaphore, #tpu.memory_space<semaphore_mem>>) src(%arg9 : memref<128x128xf32, #tpu.memory_space<vmem>>) dst(%dma_wait3A_33 : memref<2064x128xf32, #tpu.memory_space<vmem_shared>>)
      tpu.yield
    }) : () -> ()
    %barrier3A_20 = arith.constant 0 : index
    tpu.barrier barrier_id(%barrier3A_20)
    "tpu.region"() ({
      %run_scoped3A_21 = tpu.sem_alloc : memref<!tpu.dma_semaphore, #tpu.memory_space<semaphore_mem>>
      %dma_start3A_22 = arith.constant 0 : i32
      %dma_start3A_23 = tpu.memref_slice %arg6[%arg0, %mul3A_2, %dma_start3A_22] : memref<2x2048x128xf32, #tpu.memory_space<hbm>> -> memref<1x128x128xf32, #tpu.memory_space<hbm>>
      %dma_start3A_24 = tpu.memref_squeeze %dma_start3A_23 : memref<1x128x128xf32, #tpu.memory_space<hbm>> -> memref<128x128xf32, #tpu.memory_space<hbm>>
      %dma_start3A_25 = arith.constant 0 : i32
      %dma_start3A_26 = tpu.memref_slice %arg11[%mul3A_2, %dma_start3A_25] : memref<2064x128xf32, #tpu.memory_space<vmem_shared>> -> memref<128x128xf32, #tpu.memory_space<vmem_shared>>
      tpu.enqueue_dma source(%dma_start3A_26 : memref<128x128xf32, #tpu.memory_space<vmem_shared>>) target(%dma_start3A_24 : memref<128x128xf32, #tpu.memory_space<hbm>>) target_semaphore(%run_scoped3A_21 : memref<!tpu.dma_semaphore, #tpu.memory_space<semaphore_mem>>)
      %dma_wait3A_27 = arith.constant 0 : i32
      %dma_wait3A_28 = tpu.memref_slice %arg6[%arg0, %mul3A_2, %dma_wait3A_27] : memref<2x2048x128xf32, #tpu.memory_space<hbm>> -> memref<1x128x128xf32, #tpu.memory_space<hbm>>
      %dma_wait3A_29 = tpu.memref_squeeze %dma_wait3A_28 : memref<1x128x128xf32, #tpu.memory_space<hbm>> -> memref<128x128xf32, #tpu.memory_space<hbm>>
      %dma_wait3A_30 = arith.constant 0 : i32
      %dma_wait3A_31 = tpu.memref_slice %arg11[%mul3A_2, %dma_wait3A_30] : memref<2064x128xf32, #tpu.memory_space<vmem_shared>> -> memref<128x128xf32, #tpu.memory_space<vmem_shared>>
      tpu.wait_dma2 semaphore(%run_scoped3A_21 : memref<!tpu.dma_semaphore, #tpu.memory_space<semaphore_mem>>) src(%dma_wait3A_31 : memref<128x128xf32, #tpu.memory_space<vmem_shared>>) dst(%dma_wait3A_29 : memref<128x128xf32, #tpu.memory_space<hbm>>)
      tpu.yield
    }) : () -> ()
    return
  }
}

module attributes {stable_mosaic.version = 14 : i64} {
  func.func @_hist_body(%arg0: i32, %arg1: memref<1x1x16000xi32, #tpu.memory_space<vmem>>, %arg2: memref<32x64xf32, #tpu.memory_space<vmem>>) attributes {dimension_semantics = [#tpu.dimension_semantics<arbitrary>], iteration_bounds = array<i64: 20>, scalar_prefetch = 0 : i64, scratch_operands = 0 : i64, tpu.core_type = #tpu.core_type<tc>, window_params = [{transform_indices = @transform_0, window_bounds = array<i64: 1, 1, 16000>}, {pipeline_mode = #tpu.pipeline_mode<synchronous>, transform_indices = @transform_1, window_bounds = array<i64: 32, 64>}]} {
    %get3A = arith.constant 0 : index
    %get3A_0 = arith.constant 0 : index
    %get3A_1 = arith.constant 0 : index
    %get3A_2 = vector.load %arg1[%get3A, %get3A_0, %get3A_1] : memref<1x1x16000xi32, #tpu.memory_space<vmem>>, vector<1x1x16000xi32>
    %get3A_3 = vector.shape_cast %get3A_2 : vector<1x1x16000xi32> to vector<1x16000xi32>
    %shift_right_arithmetic3A = arith.constant 6 : i32
    %shift_right_arithmetic3A_4 = vector.broadcast %shift_right_arithmetic3A : i32 to vector<1x16000xi32>
    %shift_right_arithmetic3A_5 = arith.shrsi %get3A_3, %shift_right_arithmetic3A_4 : vector<1x16000xi32>
    %broadcast_in_dim3A = vector.shape_cast %shift_right_arithmetic3A_5 : vector<1x16000xi32> to vector<1x16000xi32>
    %broadcast_in_dim3A_6 = vector.broadcast %broadcast_in_dim3A : vector<1x16000xi32> to vector<32x16000xi32>
    %and3A = arith.constant 63 : i32
    %and3A_7 = vector.broadcast %and3A : i32 to vector<1x16000xi32>
    %and3A_8 = arith.andi %get3A_3, %and3A_7 : vector<1x16000xi32>
    %broadcast_in_dim3A_9 = vector.shape_cast %and3A_8 : vector<1x16000xi32> to vector<1x16000xi32>
    %broadcast_in_dim3A_10 = vector.broadcast %broadcast_in_dim3A_9 : vector<1x16000xi32> to vector<64x16000xi32>
    %iota3A = tpu.iota {dimensions = array<i32: 0>} : vector<32x16000xi32>
    %eq3A = arith.cmpi eq, %iota3A, %broadcast_in_dim3A_6 : vector<32x16000xi32>
    %convert_element_type3A = arith.extui %eq3A : vector<32x16000xi1> to vector<32x16000xi32>
    %convert_element_type3A_11 = arith.sitofp %convert_element_type3A : vector<32x16000xi32> to vector<32x16000xf32>
    %iota3A_12 = tpu.iota {dimensions = array<i32: 0>} : vector<64x16000xi32>
    %eq3A_13 = arith.cmpi eq, %iota3A_12, %broadcast_in_dim3A_10 : vector<64x16000xi32>
    %convert_element_type3A_14 = arith.extui %eq3A_13 : vector<64x16000xi1> to vector<64x16000xi32>
    %convert_element_type3A_15 = arith.sitofp %convert_element_type3A_14 : vector<64x16000xi32> to vector<64x16000xf32>
    %dot_general3A = arith.constant dense<0.000000e+00> : vector<32x64xf32>
    %dot_general3A_16 = tpu.matmul %convert_element_type3A_11, %convert_element_type3A_15, %dot_general3A {dimension_numbers = #tpu.dot_dimension_numbers<[1], [1], [0], [0], [0, 0, 1, 0], [], []>, transpose_lhs_hint = false} : vector<32x16000xf32>, vector<64x16000xf32>, vector<32x64xf32> -> vector<32x64xf32>
    %eq3A_17 = arith.constant 0 : i32
    %eq3A_18 = arith.cmpi eq, %arg0, %eq3A_17 : i32
    %convert_element_type3A_19 = arith.extui %eq3A_18 : i1 to i32
    %cond3A = arith.constant 0 : i32
    %cond3A_20 = arith.cmpi ne, %convert_element_type3A_19, %cond3A : i32
    scf.if %cond3A_20 {
      %swap3A = arith.constant 0 : index
      %swap3A_25 = arith.constant 0 : index
      %swap3A_26 = vector.load %arg2[%swap3A, %swap3A_25] : memref<32x64xf32, #tpu.memory_space<vmem>>, vector<32x64xf32>
      tpu.vector_store %arg2[%swap3A, %swap3A_25], %dot_general3A_16 {strides = array<i32>} : memref<32x64xf32, #tpu.memory_space<vmem>>, vector<32x64xf32>,
    } else {
    }
    %ne3A = arith.constant 0 : i32
    %ne3A_21 = arith.cmpi ne, %arg0, %ne3A : i32
    %convert_element_type3A_22 = arith.extui %ne3A_21 : i1 to i32
    %cond3A_23 = arith.constant 0 : i32
    %cond3A_24 = arith.cmpi ne, %convert_element_type3A_22, %cond3A_23 : i32
    scf.if %cond3A_24 {
      %get3A_25 = arith.constant 0 : index
      %get3A_26 = arith.constant 0 : index
      %get3A_27 = vector.load %arg2[%get3A_25, %get3A_26] : memref<32x64xf32, #tpu.memory_space<vmem>>, vector<32x64xf32>
      %add3A = arith.addf %get3A_27, %dot_general3A_16 : vector<32x64xf32>
      %swap3A = arith.constant 0 : index
      %swap3A_28 = arith.constant 0 : index
      %swap3A_29 = vector.load %arg2[%swap3A, %swap3A_28] : memref<32x64xf32, #tpu.memory_space<vmem>>, vector<32x64xf32>
      tpu.vector_store %arg2[%swap3A, %swap3A_28], %add3A {strides = array<i32>} : memref<32x64xf32, #tpu.memory_space<vmem>>, vector<32x64xf32>,
    } else {
    }
    return
  }
  func.func @transform_0(%arg0: i32) -> (i32, i32, i32) {
    %c0_i32 = arith.constant 0 : i32
    %c0_i32_0 = arith.constant 0 : i32
    %c0_i32_1 = arith.constant 0 : i32
    return %arg0, %c0_i32, %c0_i32_0 : i32, i32, i32
  }
  func.func @transform_1(%arg0: i32) -> (i32, i32) {
    %c0_i32 = arith.constant 0 : i32
    %c0_i32_0 = arith.constant 0 : i32
    %c0_i32_1 = arith.constant 0 : i32
    return %c0_i32, %c0_i32_0 : i32, i32
  }
}

module attributes {stable_mosaic.version = 14 : i64} {
  func.func @_tc_body(%arg0: memref<2x2048x128xf32, #tpu.memory_space<vmem>>, %arg1: memref<2048x1xf32, #tpu.memory_space<vmem>>, %arg2: memref<2048x128xf32, #tpu.memory_space<vmem>>, %arg3: memref<128x128xf32, #tpu.memory_space<vmem>>, %arg4: memref<128x128xf32, #tpu.memory_space<vmem>>, %arg5: memref<1x128xf32, #tpu.memory_space<vmem>>, %arg6: memref<2048x128xf32, #tpu.memory_space<vmem>>) attributes {dimension_semantics = [], scalar_prefetch = 0 : i64, scratch_operands = 0 : i64, tpu.core_type = #tpu.core_type<tc>} {
    %get3A = arith.constant 0 : index
    %get3A_0 = arith.constant 0 : index
    %get3A_1 = arith.constant 0 : index
    %get3A_2 = vector.load %arg0[%get3A, %get3A_0, %get3A_1] : memref<2x2048x128xf32, #tpu.memory_space<vmem>>, vector<1x2048x128xf32>
    %get3A_3 = vector.shape_cast %get3A_2 : vector<1x2048x128xf32> to vector<2048x128xf32>
    %get3A_4 = arith.constant 1 : index
    %get3A_5 = arith.constant 0 : index
    %get3A_6 = arith.constant 0 : index
    %get3A_7 = vector.load %arg0[%get3A_4, %get3A_5, %get3A_6] : memref<2x2048x128xf32, #tpu.memory_space<vmem>>, vector<1x2048x128xf32>
    %get3A_8 = vector.shape_cast %get3A_7 : vector<1x2048x128xf32> to vector<2048x128xf32>
    %add3A = arith.addf %get3A_3, %get3A_8 : vector<2048x128xf32>
    %get3A_9 = arith.constant 0 : index
    %get3A_10 = arith.constant 0 : index
    %get3A_11 = vector.load %arg1[%get3A_9, %get3A_10] : memref<2048x1xf32, #tpu.memory_space<vmem>>, vector<2048x1xf32>
    %max3A = arith.constant 1.000000e+00 : f32
    %max3A_12 = vector.broadcast %max3A : f32 to vector<2048x1xf32>
    %max3A_13 = arith.maximumf %get3A_11, %max3A_12 : vector<2048x1xf32>
    %div3A = vector.broadcast %max3A_13 : vector<2048x1xf32> to vector<2048x128xf32>
    %div3A_14 = arith.divf %add3A, %div3A : vector<2048x128xf32>
    %get3A_15 = arith.constant 0 : index
    %get3A_16 = arith.constant 0 : index
    %get3A_17 = vector.load %arg3[%get3A_15, %get3A_16] : memref<128x128xf32, #tpu.memory_space<vmem>>, vector<128x128xf32>
    %dot_general3A = arith.constant dense<0.000000e+00> : vector<2048x128xf32>
    %dot_general3A_18 = tpu.matmul %div3A_14, %get3A_17, %dot_general3A {dimension_numbers = #tpu.dot_dimension_numbers<[1], [0], [0], [1], [0, 0, 1, 1], [], []>, transpose_lhs_hint = false} : vector<2048x128xf32>, vector<128x128xf32>, vector<2048x128xf32> -> vector<2048x128xf32>
    %get3A_19 = arith.constant 0 : index
    %get3A_20 = arith.constant 0 : index
    %get3A_21 = vector.load %arg5[%get3A_19, %get3A_20] : memref<1x128xf32, #tpu.memory_space<vmem>>, vector<1x128xf32>
    %add3A_22 = vector.broadcast %get3A_21 : vector<1x128xf32> to vector<2048x128xf32>
    %add3A_23 = arith.addf %dot_general3A_18, %add3A_22 : vector<2048x128xf32>
    %get3A_24 = arith.constant 0 : index
    %get3A_25 = arith.constant 0 : index
    %get3A_26 = vector.load %arg2[%get3A_24, %get3A_25] : memref<2048x128xf32, #tpu.memory_space<vmem>>, vector<2048x128xf32>
    %get3A_27 = arith.constant 0 : index
    %get3A_28 = arith.constant 0 : index
    %get3A_29 = vector.load %arg4[%get3A_27, %get3A_28] : memref<128x128xf32, #tpu.memory_space<vmem>>, vector<128x128xf32>
    %dot_general3A_30 = arith.constant dense<0.000000e+00> : vector<2048x128xf32>
    %dot_general3A_31 = tpu.matmul %get3A_26, %get3A_29, %dot_general3A_30 {dimension_numbers = #tpu.dot_dimension_numbers<[1], [0], [0], [1], [0, 0, 1, 1], [], []>, transpose_lhs_hint = false} : vector<2048x128xf32>, vector<128x128xf32>, vector<2048x128xf32> -> vector<2048x128xf32>
    %add3A_32 = arith.addf %add3A_23, %dot_general3A_31 : vector<2048x128xf32>
    %mul3A = arith.mulf %add3A_32, %add3A_32 : vector<2048x128xf32>
    %reduce_sum3A = arith.constant dense<0.000000e+00> : vector<2048xf32>
    %reduce_sum3A_33 = vector.multi_reduction <add>, %mul3A, %reduce_sum3A [1] : vector<2048x128xf32> to vector<2048xf32>
    %broadcast_in_dim3A = vector.shape_cast %reduce_sum3A_33 : vector<2048xf32> to vector<2048x1xf32>
    %sqrt3A = math.sqrt %broadcast_in_dim3A : vector<2048x1xf32>
    %max3A_34 = arith.constant 9.99999996E-13 : f32
    %max3A_35 = vector.broadcast %max3A_34 : f32 to vector<2048x1xf32>
    %max3A_36 = arith.maximumf %sqrt3A, %max3A_35 : vector<2048x1xf32>
    %div3A_37 = vector.broadcast %max3A_36 : vector<2048x1xf32> to vector<2048x128xf32>
    %div3A_38 = arith.divf %add3A_32, %div3A_37 : vector<2048x128xf32>
    %swap3A = arith.constant 0 : index
    %swap3A_39 = arith.constant 0 : index
    %swap3A_40 = vector.load %arg6[%swap3A, %swap3A_39] : memref<2048x128xf32, #tpu.memory_space<vmem>>, vector<2048x128xf32>
    tpu.vector_store %arg6[%swap3A, %swap3A_39], %div3A_38 {strides = array<i32>} : memref<2048x128xf32, #tpu.memory_space<vmem>>, vector<2048x128xf32>,
    return
  }
}

</mosaic_0001>

<sc_bundles>
// kernel: kernel.5.cloned.1.call-start
scs
__scs_entry_jumppad:
0x0: {  	(pc) =	sbr.rel $0x88, $3  }
0x1: {  	(tag) =	ssettag $0x0;
	lr =	simm.s32 $0x1  }
0x2: {  	[smem:$0x3F9C] =	sst lr;
	_ =	strace $0xD0000000  }
0x3: {  	_ = 	snop  }
0x4: {  	_ = 	snop  }
0x5: {  	_ = 	snop  }
0x6: {  	_ = 	snop  }
0x7: {  	_ = 	snop  }
__scs_overlays_trampoline_lowered:
0x8: {  	[smem:$0x3FAB] =	sst s0  }
0x9: {  	[smem:$0x3FAC] =	sst s1  }
0xa: {  	[smem:$0x3FAD] =	sst s2  }
0xb: {  	[smem:$0x3FAE] =	sst s3  }
0xc: {  	[smem:$0x3FAF] =	sst s4  }
0xd: {  	[smem:$0x3FB0] =	sst s5  }
0xe: {  	[smem:$0x3FB1] =	sst s6  }
0xf: {  	[smem:$0x3FB2] =	sst s7  }
0x10: {  	[smem:$0x3FB3] =	sst s8  }
0x11: {  	[smem:$0x3FB4] =	sst s9;
	s0 =	simm.s32 @!p0 $0x0  }
0x12: {  	s1 =	sld [smem:$0x3F9A];
	s0 =	simm.s32 @p0 $0x1  }
0x13: {  	[smem:$0x3FB5] =	sst s0;
	s0 =	simm.s32 @!p1 $0x0  }
0x14: {  	s2 =	sld [smem:$0x3F99];
	s0 =	simm.s32 @p1 $0x1  }
0x15: {  	[smem:$0x3FB6] =	sst s0;
	s0 =	simm.s32 @!p2 $0x0  }
0x16: {  	s3 =	sld [smem:$0x3FDB];
	s0 =	simm.s32 @p2 $0x1  }
0x17: {  	s4 =	simm.s32 $0x1BF5;
	[smem:$0x3FB8] =	sst s0  }
0x18: {  	s0 =	sld [smem:$0x3F9B];
	_ =	swait.ge [sflag:s4], $0x0  }
0x19: {  	s7 =	sld [smem:$0x3F9C]  }
0x1a: {  	s8 =	sadd.s32 $0xFFFFE003, lr  }
0x1b: {  	s9 =	sadd.s32 $0xFFFFFEF7, lr;
	s5 =	simm.s32 $0xFFFFFFFF;
	p2 =	slt.u32 s8, $0xFFFFF086  }
0x1c: {  	p1 =	slt.u32 s9, $0xF7A;
	s5 =	simm.s32 @!p2 $0x0  }
0x1d: {  	s5 =	simm.s32 @p1 $0x1;
	p0 =	seq.s32 s7, s2  }
0x1e: {  	s7 =	smul.u32 @!p0 $0xF7A, s2;
	p2 =	seq.s32 @!p0 s5, $0x0  }
0x1f: {  	s9 =	smul.u32 $0xF7A, s1;
	s8 =	simm.s32 @!p0 $0x1BF5;
	p2 =	por !p2, p0  }
0x20: {  	[sflag:s8] =	ssyncset.s32 @!p0 $0xFFFFF086;
	s6 =	sadd.s32 @!p0 s3, s7;
	s7 =	simm.s32 @!p0 $0x108  }
0x21: {  	s3 =	sadd.s32 s3, s9;
	s6 =	sadd.s32 @!p0 $0x88, s6;
	s7 =	simm.s32 @p2 $0x1082  }
0x22: {  	[simem:s7], [sflag:s8] =	dma.local @!p0 [hbm:s6], $0xF7A  }
0x23: {  	s9 =	sor.u32 $0xD0000000, s2;
	s6 =	simm.s32 $0x108;
	_ =	swait.ge @!p0 [sflag:s8], $0x0  }
0x24: {  	s3 =	sadd.s32 $0x88, s3;
	s6 =	simm.s32 @!p1 $0x1082;
	[sflag:s4] =	ssyncset.s32 $0xFFFFF086  }
0x25: {  	[simem:s6], [sflag:s4] =	dma.local [hbm:s3], $0xF7A  }
0x26: {  	[smem:$0x3F9C] =	sst s1;
	(tag) =	ssettag s2;
	_ =	strace s9  }
0x27: {  	s1 =	sld [smem:$0x3FAC]  }
0x28: {  	s2 =	sld [smem:$0x3FAD]  }
0x29: {  	s4 =	sld [smem:$0x3FAF]  }
0x2a: {  	p0 =	seq.s32 s5, $0x0;
	s5 =	sld [smem:$0x3FB0]  }
0x2b: {  	s6 =	sld [smem:$0x3FB1]  }
0x2c: {  	s7 =	sld [smem:$0x3FB2]  }
0x2d: {  	s3 =	simm.s32 $0x108;
	s8 =	sld [smem:$0x3FB3]  }
0x2e: {  	s3 =	simm.s32 @!p0 $0x1082;
	s9 =	sld [smem:$0x3FB4]  }
0x2f: {  	lr =	sadd.s32 s0, s3;
	s0 =	sld [smem:$0x3FAB]  }
0x30: {  	s3 =	sld [smem:$0x3FAE]  }
0x31: {  	[smem:$0x3FB7] =	sst s10  }
0x32: {  	s10 =	sld [smem:$0x3FB5];
	_ =	sdelay $0x3  }
0x33: {  	p0 =	seq.s32 s10, $0x1;
	s10 =	sld [smem:$0x3FB7];
	_ =	sdelay $0x3  }
0x34: {  	[smem:$0x3FB7] =	sst s10  }
0x35: {  	s10 =	sld [smem:$0x3FB6];
	_ =	sdelay $0x3  }
0x36: {  	p1 =	seq.s32 s10, $0x1;
	s10 =	sld [smem:$0x3FB7];
	_ =	sdelay $0x3  }
0x37: {  	[smem:$0x3FB7] =	sst s10  }
0x38: {  	s10 =	sld [smem:$0x3FB8]  }
0x39: {  	_ = 	snop;
	(pc) =	sbr.ind lr, $3  }
0x3a: {  	_ = 	snop  }
0x3b: {  	_ = 	snop  }
0x3c: {  	p2 =	seq.s32 s10, $0x1;
	s10 =	sld [smem:$0x3FB7]  }
0x3d: {  	_ =	shalt  }
0x3e: {  	_ =	shalt  }
0x3f: {  	_ =	shalt  }
0x40: {  	_ =	shalt  }
0x41: {  	_ =	shalt  }
0x42: {  	_ =	shalt  }
0x43: {  	_ =	shalt  }
0x44: {  	_ =	shalt  }
0x45: {  	_ =	shalt  }
0x46: {  	_ =	shalt  }
0x47: {  	_ =	shalt  }
0x48: {  	_ =	shalt  }
0x49: {  	_ =	shalt  }
0x4a: {  	_ =	shalt  }
0x4b: {  	_ =	shalt  }
0x4c: {  	_ =	shalt  }
0x4d: {  	_ =	shalt  }
0x4e: {  	_ =	shalt  }
0x4f: {  	_ =	shalt  }
0x50: {  	_ =	shalt  }
0x51: {  	_ =	shalt  }
0x52: {  	_ =	shalt  }
0x53: {  	_ =	shalt  }
0x54: {  	_ =	shalt  }
0x55: {  	_ =	shalt  }
0x56: {  	_ =	shalt  }
0x57: {  	_ =	shalt  }
0x58: {  	_ =	shalt  }
0x59: {  	_ =	shalt  }
0x5a: {  	_ =	shalt  }
0x5b: {  	_ =	shalt  }
0x5c: {  	_ =	shalt  }
0x5d: {  	_ =	shalt  }
0x5e: {  	_ =	shalt  }
0x5f: {  	_ =	shalt  }
0x60: {  	_ =	shalt  }
0x61: {  	_ =	shalt  }
0x62: {  	_ =	shalt  }
0x63: {  	_ =	shalt  }
0x64: {  	_ =	shalt  }
0x65: {  	_ =	shalt  }
0x66: {  	_ =	shalt  }
0x67: {  	_ =	shalt  }
0x68: {  	_ =	shalt  }
0x69: {  	_ =	shalt  }
0x6a: {  	_ =	shalt  }
0x6b: {  	_ =	shalt  }
0x6c: {  	_ =	shalt  }
0x6d: {  	_ =	shalt  }
0x6e: {  	_ =	shalt  }
0x6f: {  	_ =	shalt  }
0x70: {  	_ =	shalt  }
0x71: {  	_ =	shalt  }
0x72: {  	_ =	shalt  }
0x73: {  	_ =	shalt  }
0x74: {  	_ =	shalt  }
0x75: {  	_ =	shalt  }
0x76: {  	_ =	shalt  }
0x77: {  	_ =	shalt  }
0x78: {  	_ =	shalt  }
0x79: {  	_ =	shalt  }
0x7a: {  	_ =	shalt  }
0x7b: {  	_ =	shalt  }
0x7c: {  	_ =	shalt  }
0x7d: {  	_ =	shalt  }
0x7e: {  	_ =	shalt  }
0x7f: {  	_ =	shalt  }
0x80: {  	_ =	shalt  }
0x81: {  	_ =	shalt  }
0x82: {  	_ =	shalt  }
0x83: {  	_ =	shalt  }
0x84: {  	_ =	shalt  }
0x85: {  	_ =	shalt  }
0x86: {  	_ =	shalt  }
0x87: {  	_ =	shalt  }
.Lfunc_end0:
.L_simem_size_0:
called_computation_lowered:
.L_overlay_start_0:
0x88: {  	s2 =	sld [smem:$0x3FD9]  }
0x89: {  	s3 =	sld [smem:$0x3FFE];
	_ =	sdelay $0x1  }
0x8a: {  	s1 =	srdreg.scid  }
0x8b: {  	s0 =	sand.u32 $0x1, s1  }
0x8c: {  	s17 =	sshll.u32 s0, $0xA;
	s2 =	sadd.s32 s3, s2  }
0x8d: {  	s2 =	sadd.s32 s2, s17  }
0x8e: {  	[smem:$0x3FC3] =	sst s2  }
0x8f: {  	_ = 	snop  }
0x90: {  	s2 =	sld [smem:$0x3FC9]  }
0x91: {  	s18 =	sld [smem:$0x3FD0];
	(tm) =	ssettm $0x1  }
0x92: {  	s4 =	sld [smem:$0x3FFB];
	_ =	sdelay $0x3  }
0x93: {  	_ =	strace s4  }
0x94: {  	s4 =	sld [smem:$0x3FFC];
	_ =	sdelay $0x3  }
0x95: {  	_ =	strace s4  }
0x96: {  	s4 =	sld [smem:$0x3FFD];
	_ =	sdelay $0x3  }
0x97: {  	_ =	strace s4  }
0x98: {  	_ =	strace $0x8FFFFFFF  }
0x99: {  	s19 =	sld [smem:$0x3FDB];
	_ =	sdelay $0x1  }
0x9a: {  	s5 =	simm.s32 $_scs_section_size  }
0x9b: {  	s6 =	simm.s32 $_size__tile_overlayer_lowered;
	s7 =	simm.s32 $_tile_overlayer_lowered  }
0x9c: {  	s22 =	simm.s32 $0x1BFF;
	s21 =	sshll.u32 s7, $0x1;
	s4 =	sadd.s32 s5, s19  }
0x9d: {  	s8 =	simm.s32 $0x0;
	s20 =	sshll.u32 s6, $0x1;
	s6 =	sadd.s32 s21, s4  }
0x9e: {  	[timem:s8], [sflag:s22] =	dma.local [hbm:s6], s20  }
0x9f: {  	_ =	swait.ge [sflag:s22], s20  }
0xa0: {  	s5 =	ssub.s32 $0x0, s20;
	[sflag:s22] =	ssyncset.done $0x0  }
0xa1: {  	[sflag:s22] =	ssyncadd.s32 s5;
	_ =	sdelay $0x1  }
0xa2: {  	s23 =	simm.s32 $0x1B8B  }
0xa3: {  	_ =	swait.ge [sflag:s23], $0x1  }
0xa4: {  	[sflag:s23] =	ssyncset.done $0x0  }
0xa5: {  	s25 =	simm.s32 $0x1B8E;
	s24 =	sld [smem:$0x3FFE];
	[sflag:s23] =	ssyncadd.s32 $0xFFFFFFFF  }
0xa6: {  	s26 =	simm.s32 $execute0_lowered;
	[smem:$0x3FD2] =	sst s25  }
0xa7: {  	s6 =	sshll.u32 s26, $0x1;
	_ =	strace $0x80000046;
	[dreg:$0x1] =	wrdreg $0xFFFFFFFF  }
0xa8: {  	s28 =	simm.s32 $_size_execute0_lowered;
	s4 =	sadd.s32 s4, s6;
	[dreg:$0x0] =	wrdreg $0x0  }
0xa9: {  	s6 =	sshll.u32 s28, $0x1;
	[dreg:$0x2] =	wrdreg s4  }
0xaa: {  	[dreg:$0x3] =	wrdreg s6  }
0xab: {  	[dreg:$0x4] =	wrdreg $0xC0  }
0xac: {  	_ =	task [dreg:s8], $0x5FFFF  }
0xad: {  	[dreg:$0x1] =	wrdreg $0xFFFFFFFF  }
0xae: {  	[dreg:$0x0] =	wrdreg $0x60  }
0xaf: {  	[dreg:$0x2] =	wrdreg s2  }
0xb0: {  	[dreg:$0x3] =	wrdreg s24  }
0xb1: {  	[dreg:$0x4] =	wrdreg s18  }
0xb2: {  	[dreg:$0x5] =	wrdreg $0xD4000  }
0xb3: {  	[dreg:$0x6] =	wrdreg $0x9  }
0xb4: {  	_ =	task.clear_ibuf [dreg:s8], $0x7FFFF;
	_ =	strace $0x90000046  }
0xb5: {  	s29 =	simm.s32 $0x9;
	_ =	strace $0x80000048  }
0xb6: {  	_ =	swait.ge [sflag:s29], $0x1  }
0xb7: {  	[sflag:s29] =	ssyncadd.s32 $0xFFFFFFFF  }
0xb8: {  	_ =	strace $0x90000048  }
0xb9: {  	_ =	sfence  }
0xba: {  	s30 =	sld [smem:$0x0];
	_ =	sdelay $0x2  }
0xbb: {  	s31 =	sshll.u32 s1, $0xD;
	s1 =	sshrl.u32 s1, $0x2  }
0xbc: {  	s3 =	sand.u32 $0x4000, s31;
	s1 =	sadd.s32 s1, s30  }
0xbd: {  	s0 =	sor.u32 s3, s0;
	s1 =	sshll.u32 s1, $0x11  }
0xbe: {  	s0 =	sor.u32 s1, s0  }
0xbf: {  	s0 =	sadd.s32 $0x8F2B, s0  }
0xc0: {  	[sflag:s0] =	ssyncadd.remote.s32 $0x1  }
0xc1: {  	_ =	sfence.sel $0xFFFF  }
0xc2: {  	[dreg:$0x0] =	wrdreg $0xFFFFFFFF;
	(pc) =	sbr.abs _section_cstart, $3  }
0xc3: {  	[dreg:$0x1] =	wrdreg $0xFFFFFFFF  }
0xc4: {  	_ =	task.clear_ibuf [dreg:s8], $0x2FFFF;
	_ =	strace $0x9FFFFFFF  }
0xc5: {  	(tm) =	ssettm $0x7FFFFFFF  }
tec
execute0_lowered:
.L_overlay_start_1:
0x0: {  	(tag) =	ssettag $0x1  }
0x1: {  	s0 =	rddreg [dreg:$0x0]  }
0x2: {  	s5 =	rddreg [dreg:$0x1]  }
0x3: {  	s1 =	srdreg.scid;
	s7 =	rddreg [dreg:$0x2]  }
0x4: {  	s3 =	rddreg [dreg:$0x3];
	s2 =	stileid.u32;
	s4 =	simm.s32 $0x0  }
0x5: {  	s15 =	simm.s32 $0x5400;
	s16 =	simm.s32 $0x1;
	s17 =	simm.s32 $0x9400  }
0x6: {  	s18 =	simm.s32 $0x2;
	s6 =	sand.u32 $0x1, s1;
	s1 =	rddreg [dreg:$0x4]  }
0x7: {  	s19 =	simm.s32 $0x5300;
	s20 =	simm.s32 $0x0;
	[smem:$0x7FF] =	sst s4  }
0x8: {  	s11 =	sshll.u32 s2, $0xB;
	s28 =	sshll.u32 s2, $0xE;
	s31 =	sshll.u32 s2, $0x6  }
0x9: {  	s8 =	sshll.u32 s6, $0x4;
	_ =	strace $0x80000047;
	s10 =	ssub.s32 $0x2, s6  }
0xa: {  	s13 =	sadd.s32 s11, s5;
	s29 =	sshll.u32 s6, $0xF;
	s8 =	sor.u32 s2, s8  }
0xb: {  	s14 =	sadd.s32 s28, s3;
	s7 =	sadd.s32 s7, s11;
	s9 =	smul.u32 $0x580, s8  }
0xc: {  	s11 =	simm.s32 $0x2C00;
	s12 =	sshrl.u32 s10, $0x1;
	s8 =	smul.u32 $0x500, s8  }
0xd: {  	s30 =	sadd.s32 s29, s13;
	s13 =	sshrl.u32 s14, $0x3;
	s14 =	simm.s32 $0x80  }
0xe: {  	s10 =	ssub.s32 s10, s12;
	s9 =	sadd.s32 s9, s5;
	s8 =	sadd.s32 s8, s5  }
0xf: {  	s12 =	sor.u32 $0x1C03, s31;
	s5 =	sadd.s32 $0x400, s9;
	s6 =	sadd.s32 $0xB400, s8  }
0x10: {  	s8 =	sadd.s32 $0x15400, s30;
	s9 =	smax.u32 s10, $0x1;
	s10 =	simm.s32 $0x3  }
.LBB2_1:
0x11: {  	[tilespmem:s4], [sflag:$0x3] =	stream.linear.gather [hbm4b:s5+s4], $0x2C00, $0x38;
	[tilespmem:$0x11480] =	vst v63  }
0x12: {  	_ =	swait.ge [sflag:s10], $0x2C00  }
0x13: {  	[sflag:s10] =	ssyncset.done $0x0  }
0x14: {  	[sflag:s10] =	ssyncadd.s32 $0xFFFFD400  }
0x15: {  	[tilespmem:s11], [sflag:$0x3] =	stream.linear.gather [hbm4b:s6+s4], $0x2800, $0x38;
	[tilespmem:$0x11480] =	vst v63  }
0x16: {  	_ =	swait.ge [sflag:s10], $0x2800  }
0x17: {  	[sflag:s10] =	ssyncset.done $0x0  }
0x18: {  	[sflag:s10] =	ssyncadd.s32 $0xFFFFD800  }
0x19: {  	[spmem:s13], [sflag:s12] =	dma.local [hbm:s7], $0x800  }
0x1a: {  	_ =	swait.ge [sflag:s10], $0x800  }
0x1b: {  	[sflag:s10] =	ssyncset.done $0x0  }
0x1c: {  	[sflag:s10] =	ssyncadd.s32 $0xFFFFF800  }
0x1d: {  	[bflag:$0x0] =	sbarrier.arrive $0xFFFF  }
0x1e: {  	[tilespmem:s15], [sflag:$0x1] =	stream.indirect.gather [hbm4b:s0+s14], $0x80, s4, s14, $0xb8;
	[tilespmem:$0x11480] =	vst v63  }
0x1f: {  	_ =	swait.ge [sflag:s16], $0x4000  }
0x20: {  	[sflag:s16] =	ssyncset.done $0x0  }
0x21: {  	s21 =	simm.s32 $0x80;
	[sflag:s16] =	ssyncadd.s32 $0xFFFFC000  }
0x22: {  	[tilespmem:s17], [sflag:$0x2] =	stream.indirect.gather [hbm4b:s0+s14], $0x80, s21, s14, $0xb8;
	[tilespmem:$0x11480] =	vst v63  }
0x23: {  	_ =	swait.ge [sflag:s18], $0x4000  }
0x24: {  	[sflag:s18] =	ssyncset.done $0x0  }
0x25: {  	s22 =	simm.s32 $0x100;
	s21 =	simm.s32 $0xFFFF6800;
	[sflag:s18] =	ssyncadd.s32 $0xFFFFC000  }
.LBB2_2:
0x26: {  	[tilespmem:s15], [sflag:$0x1] =	stream.indirect.gather [hbm4b:s0+s14], $0x80, s22, s14, $0xb8;
	[tilespmem:$0x11480] =	vst v63  }
0x27: {  	s22 =	smov.u32 s21  }
0x28: {  	p0 =	sne.s32 s21, $0xFFFFFC00;
	s21 =	sadd.s32 $0x400, s21;
	_ =	swait.ge [sflag:s16], $0x4000  }
0x29: {  	s22 =	sshra.s32 s22, $0x2;
	[sflag:s16] =	ssyncset.done $0x0  }
.Ltmp0:
0x2a: {  	s23 =	sadd.s32 $0x2780, s22;
	[sflag:s16] =	ssyncadd.s32 $0xFFFFC000;
	(pc) =	sbr.rel @p0 .LBB2_2-.Ltmp0, $4  }
0x2b: {  	[tilespmem:s17], [sflag:$0x2] =	stream.indirect.gather [hbm4b:s0+s14], $0x80, s23, s14, $0xb8;
	[tilespmem:$0x11480] =	vst v63  }
0x2c: {  	_ =	swait.ge [sflag:s18], $0x4000  }
0x2d: {  	[sflag:s18] =	ssyncset.done $0x0  }
0x2e: {  	s22 =	sadd.s32 $0x2800, s22;
	[sflag:s18] =	ssyncadd.s32 $0xFFFFC000  }
0x2f: {  	[tilespmem:s15], [sflag:$0x1] =	stream.indirect.gather [hbm4b:s0+s14], $0x80, s22, s14, $0xb8;
	[tilespmem:$0x11480] =	vst v63  }
0x30: {  	_ =	swait.ge [sflag:s16], $0x4000  }
0x31: {  	[sflag:s16] =	ssyncset.done $0x0  }
0x32: {  	[sflag:s16] =	ssyncadd.s32 $0xFFFFC000  }
0x33: {  	[spmem:s3] =	stream.indirect.scatter.add.f32 [tilespmem:s15], [sflag:$0x3], $0x80, s19, s14, $0xb8;
	[tilespmem:$0x11480] =	vst v63  }
0x34: {  	_ =	swait.ge [sflag:s10], $0x4000  }
0x35: {  	s20 =	sadd.s32 $0x1, s20;
	[sflag:s10] =	ssyncset.done $0x0  }
0x36: {  	p0 =	sne.s32 s20, s9;
	[sflag:s10] =	ssyncadd.s32 $0xFFFFC000  }
.Ltmp1:
0x37: {  	[bflag:$0x0] =	sbarrier.arrive $0xFFFF;
	(pc) =	sbr.rel @p0 .LBB2_1-.Ltmp1, $4  }
0x38: {  	[hbm:s8], [sflag:s12] =	dma.local [spmem:s13], $0x800  }
0x39: {  	_ =	swait.ge [sflag:s10], $0x800  }
0x3a: {  	[sflag:s10] =	ssyncset.done $0x0  }
0x3b: {  	[sflag:s10] =	ssyncadd.s32 $0xFFFFF800  }
0x3c: {  	_ =	sfence.sel $0x180000  }
0x3d: {  	[bflag:$0x0] =	sbarrier.arrive $0xFFFF  }
0x3e: {  	p0 =	sne.s32 s2, $0x0;
	_ =	strace $0x90000047  }
0x3f: {  	s0 =	sadd.s32 @!p0 $0x100000, s1;
	[bflag:$0x2] =	sbarrier.arrive $0xFFFF  }
0x40: {  	[sflag:s0] =	ssyncadd.tile.s32 @!p0 $0x1;
	_ =	shalt  }
.Lfunc_end2:
_tile_overlayer_lowered:
.L_overlay_start_2:
0x41: {  	(tag) =	ssettag $0x2  }
0x42: {  	s0 =	rddreg [dreg:$0x0];
	s2 =	stileid.u32  }
0x43: {  	s1 =	rddreg [dreg:$0x1];
	p0 =	sne.s32 s2, $0x0  }
0x44: {  	s3 =	rddreg [dreg:$0x2];
	[bflag:$0x3] =	sbarrier.arrive $0xFFFF;
	s2 =	simm.s32 @!p0 $0x1C03  }
0x45: {  	[timem:s3], [sflag:s2] =	dma.local @!p0 [hbm:s0], s1  }
0x46: {  	s0 =	simm.s32 @!p0 $0x3  }
0x47: {  	_ =	swait.ge @!p0 [sflag:s0], s1  }
0x48: {  	s1 =	ssub.s32 @!p0 $0x0, s1;
	[sflag:s0] =	ssyncset.done @!p0 $0x0  }
0x49: {  	[sflag:s0] =	ssyncadd.s32 @!p0 s1  }
0x4a: {  	[bflag:$0x3] =	sbarrier.arrive $0xFFFF  }
0x4b: {  	_ =	shalt  }

</sc_bundles>
